<compile_context>
chip_gen: v7x
topology: tpu7x:2x2x1
jax: 0.10.2.dev20260603
libtpu: 0.0.44.dev20260713+nightly
codegen_flags: <defaults>
</compile_context>

<pallas_src>
import functools

import jax
import jax.numpy as jnp
from jax import lax
from jax.experimental import pallas as pl
from jax.experimental.pallas import tpu as pltpu
from jax.experimental.pallas import tpu_sc as plsc

SEQ = 4
NAA = 20
VOCAB = NAA**SEQ
B = 16384
NC, NS, L = 2, 16, 16
NW = NC * NS
BPW = B // NW
GCHUNK = 128
NGATHER = BPW // GCHUNK
TCB = 4096

_mesh = plsc.VectorSubcoreMesh(
    core_axis_name="c", subcore_axis_name="s", num_cores=NC, num_subcores=NS
)


F = SEQ * NAA


def _tc_index_body(x_ref, mf_ref, o_ref):
    s = jax.lax.dot_general(
        x_ref[...],
        mf_ref[...],
        (((1,), (0,)), ((), ())),
        preferred_element_type=jnp.float32,
        precision=jax.lax.Precision.HIGHEST,
    )
    idx = jnp.clip(s, 0.0, float(VOCAB - 1)).astype(jnp.int32)
    o_ref[...] = idx.reshape(TCB)


_tc_index = pl.pallas_call(
    _tc_index_body,
    grid=(B // TCB,),
    in_specs=[
        pl.BlockSpec((TCB, F), lambda i: (i, 0)),
        pl.BlockSpec((F, 1), lambda i: (0, 0)),
    ],
    out_specs=pl.BlockSpec((TCB,), lambda i: (i,)),
    out_shape=jax.ShapeDtypeStruct((B,), jnp.int32),
)


@functools.partial(
    pl.kernel,
    out_type=jax.ShapeDtypeStruct((B,), jnp.float32),
    mesh=_mesh,
    compiler_params=pltpu.CompilerParams(needs_layout_passes=False),
    scratch_types=[
        pltpu.VMEM_SHARED((VOCAB,), jnp.float32),
        pltpu.VMEM((BPW,), jnp.int32),
        pltpu.VMEM((BPW,), jnp.float32),
        pltpu.SemaphoreType.DMA,
        pltpu.SemaphoreType.DMA,
    ],
)
def _sc_gather(idx_hbm, fit_hbm, out_hbm, fit_s, idx_v, val_v, si, sg):
    cid = lax.axis_index("c")
    sid = lax.axis_index("s")
    base = (sid * NC + cid) * BPW

    idx_cp = pltpu.async_copy(idx_hbm.at[pl.ds(base, BPW)], idx_v, si)

    @pl.when(sid == 0)
    def _stage_table():
        pltpu.sync_copy(fit_hbm, fit_s)

    plsc.subcore_barrier()
    idx_cp.wait()

    gathers = [
        pltpu.async_copy(
            fit_s.at[idx_v.at[pl.ds(t * GCHUNK, GCHUNK)]],
            val_v.at[pl.ds(t * GCHUNK, GCHUNK)],
            sg,
        )
        for t in range(NGATHER)
    ]
    for g in gathers:
        g.wait()
    pltpu.sync_copy(val_v, out_hbm.at[pl.ds(base, BPW)])


def kernel(x, fitnesses, mult_factor):
    idx = _tc_index(x.reshape(B, F), mult_factor.reshape(F, 1))
    return _sc_gather(idx, fitnesses.reshape(VOCAB))

# --- scband reference (transcript-rebuilt; emitter-appended) ---
"""Pipeline reference for scband-trivial-landscape-model-36704790512215 (READ-ONLY COPY).

The authoritative reference and input builder live on the scoring server;
editing this copy changes nothing except your own understanding.
"""

import jax, jax.numpy as jnp
import numpy as np

SEQ_LENGTH = 4
NUM_AA = 20
VOCAB = NUM_AA ** SEQ_LENGTH  # 160000
BATCH = 16384
OUT_DIM = 1  # predict_variance=False


def _make_mult_factor():
    mult = np.arange(NUM_AA, dtype=np.float32)[None, :].repeat(SEQ_LENGTH, axis=0)
    powers = np.array([NUM_AA ** i for i in range(SEQ_LENGTH)], dtype=np.float32)[:, None].repeat(NUM_AA, axis=1)
    return jnp.asarray(mult * powers, dtype=jnp.float32)


def setup_inputs(seed: int = 0) -> dict:
    key = jax.random.key(seed)
    k_table = jax.random.fold_in(key, 1)
    # x: one-hot featurization placeholder; fill=zeros per input_specs (yields index 0,
    # guaranteed in-range for the embedding table).
    x = jnp.zeros((BATCH, SEQ_LENGTH, NUM_AA), dtype=jnp.float32)
    # Learned parameter: nn.Embedding(VOCAB, OUT_DIM).weight
    fitnesses = jax.random.normal(k_table, (VOCAB, OUT_DIM), dtype=jnp.float32)
    mult_factor = _make_mult_factor()
    return {"x": x, "fitnesses": fitnesses, "mult_factor": mult_factor}


def reference(x, fitnesses, mult_factor):
    # x: [B, seq_length, num_amino_acids] one-hot float
    # torch.einsum('ijk, jk -> i', x, mult_factor).long()
    idx = jnp.einsum("ijk,jk->i", x, mult_factor).astype(jnp.int32)
    # nn.Embedding lookup -> gather rows
    output = jnp.take(fitnesses, idx, axis=0)  # [B, 1]
    # predict_variance=False -> output.squeeze()
    return output.squeeze(-1)  # [B]

if __name__ == "__main__":
    import jax
    _d = setup_inputs()
    print(jax.jit(kernel)(*tuple(_d.values())))

</pallas_src>

<mosaic_0001>
#map = affine_map<(d0, d1) -> (0)>
module attributes {stable_mosaic.version = 14 : i64} {
  func.func @_sc_gather(%arg0: i32, %arg1: i32, %arg2: memref<16384xi32, #tpu.memory_space<hbm>>, %arg3: memref<160000xf32, #tpu.memory_space<hbm>>, %arg4: memref<16384xf32, #tpu.memory_space<hbm>>, %arg5: memref<160000xf32, #tpu.memory_space<vmem_shared>>, %arg6: memref<512xi32, #tpu.memory_space<vmem>>, %arg7: memref<512xf32, #tpu.memory_space<vmem>>, %arg8: memref<!tpu.dma_semaphore, #tpu.memory_space<semaphore_mem>>, %arg9: memref<!tpu.dma_semaphore, #tpu.memory_space<semaphore_mem>>) attributes {dimension_semantics = [#tpu.dimension_semantics<core_parallel>, #tpu.dimension_semantics<subcore_parallel>], iteration_bounds = array<i64: 2, 16>, scalar_prefetch = 0 : i64, scratch_operands = 5 : i64, tpu.core_type = #tpu.core_type<sc_vector_subcore>, window_params = [{transform_indices = #map}, {transform_indices = #map}, {transform_indices = #map}]} {
    %mul3A = arith.constant 2 : i32
    %mul3A_0 = arith.muli %arg1, %mul3A : i32
    %add3A = arith.addi %mul3A_0, %arg0 : i32
    %mul3A_1 = arith.constant 512 : i32
    %mul3A_2 = arith.muli %add3A, %mul3A_1 : i32
    %dma_start3A = tpu.memref_slice %arg2[%mul3A_2] : memref<16384xi32, #tpu.memory_space<hbm>> -> memref<512xi32, #tpu.memory_space<hbm>>
    %dma_start3A_3 = tpu.memref_slice %arg2[%mul3A_2] : memref<16384xi32, #tpu.memory_space<hbm>> -> memref<512xi32, #tpu.memory_space<hbm>>
    tpu.enqueue_dma source(%dma_start3A_3 : memref<512xi32, #tpu.memory_space<hbm>>) target(%arg6 : memref<512xi32, #tpu.memory_space<vmem>>) target_semaphore(%arg8 : memref<!tpu.dma_semaphore, #tpu.memory_space<semaphore_mem>>)
    %eq3A = arith.constant 0 : i32
    %eq3A_4 = arith.cmpi eq, %arg1, %eq3A : i32
    %convert_element_type3A = arith.extui %eq3A_4 : i1 to i32
    %cond3A = arith.constant 0 : i32
    %cond3A_5 = arith.cmpi ne, %convert_element_type3A, %cond3A : i32
    scf.if %cond3A_5 {
      "tpu.region"() ({
        %run_scoped3A = tpu.sem_alloc : memref<!tpu.dma_semaphore, #tpu.memory_space<semaphore_mem>>
        tpu.enqueue_dma source(%arg3 : memref<160000xf32, #tpu.memory_space<hbm>>) target(%arg5 : memref<160000xf32, #tpu.memory_space<vmem_shared>>) target_semaphore(%run_scoped3A : memref<!tpu.dma_semaphore, #tpu.memory_space<semaphore_mem>>)
        tpu.wait_dma2 semaphore(%run_scoped3A : memref<!tpu.dma_semaphore, #tpu.memory_space<semaphore_mem>>) src(%arg3 : memref<160000xf32, #tpu.memory_space<hbm>>) dst(%arg5 : memref<160000xf32, #tpu.memory_space<vmem_shared>>)
        tpu.yield
      }) : () -> ()
    } else {
    }
    %barrier3A = arith.constant 0 : index
    tpu.barrier barrier_id(%barrier3A)
    %dma_wait3A = tpu.memref_slice %arg2[%mul3A_2] : memref<16384xi32, #tpu.memory_space<hbm>> -> memref<512xi32, #tpu.memory_space<hbm>>
    %dma_wait3A_6 = tpu.memref_slice %arg2[%mul3A_2] : memref<16384xi32, #tpu.memory_space<hbm>> -> memref<512xi32, #tpu.memory_space<hbm>>
    tpu.wait_dma2 semaphore(%arg8 : memref<!tpu.dma_semaphore, #tpu.memory_space<semaphore_mem>>) src(%dma_wait3A_6 : memref<512xi32, #tpu.memory_space<hbm>>) dst(%arg6 : memref<512xi32, #tpu.memory_space<vmem>>)
    %dma_start3A_7 = arith.constant 0 : i32
    %dma_start3A_8 = tpu.memref_slice %arg7[%dma_start3A_7] : memref<512xf32, #tpu.memory_space<vmem>> -> memref<128xf32, #tpu.memory_space<vmem>>
    %dma_start3A_9 = arith.constant 0 : i32
    %dma_start3A_10 = tpu.memref_slice %arg6[%dma_start3A_9] : memref<512xi32, #tpu.memory_space<vmem>> -> memref<128xi32, #tpu.memory_space<vmem>>
    %dma_start3A_11 = arith.constant 0 : i32
    %dma_start3A_12 = tpu.memref_slice %arg5[%dma_start3A_11] : memref<160000xf32, #tpu.memory_space<vmem_shared>> -> memref<160000xf32, #tpu.memory_space<vmem_shared>>
    tpu.enqueue_indirect_dma source(%dma_start3A_12 : memref<160000xf32, #tpu.memory_space<vmem_shared>>) target(%dma_start3A_8 : memref<128xf32, #tpu.memory_space<vmem>>) offsets(%dma_start3A_10 : memref<128xi32, #tpu.memory_space<vmem>>) semaphore(%arg9 : memref<!tpu.dma_semaphore, #tpu.memory_space<semaphore_mem>>)
    %dma_start3A_13 = arith.constant 128 : i32
    %dma_start3A_14 = tpu.memref_slice %arg7[%dma_start3A_13] : memref<512xf32, #tpu.memory_space<vmem>> -> memref<128xf32, #tpu.memory_space<vmem>>
    %dma_start3A_15 = arith.constant 128 : i32
    %dma_start3A_16 = tpu.memref_slice %arg6[%dma_start3A_15] : memref<512xi32, #tpu.memory_space<vmem>> -> memref<128xi32, #tpu.memory_space<vmem>>
    %dma_start3A_17 = arith.constant 0 : i32
    %dma_start3A_18 = tpu.memref_slice %arg5[%dma_start3A_17] : memref<160000xf32, #tpu.memory_space<vmem_shared>> -> memref<160000xf32, #tpu.memory_space<vmem_shared>>
    tpu.enqueue_indirect_dma source(%dma_start3A_18 : memref<160000xf32, #tpu.memory_space<vmem_shared>>) target(%dma_start3A_14 : memref<128xf32, #tpu.memory_space<vmem>>) offsets(%dma_start3A_16 : memref<128xi32, #tpu.memory_space<vmem>>) semaphore(%arg9 : memref<!tpu.dma_semaphore, #tpu.memory_space<semaphore_mem>>)
    %dma_start3A_19 = arith.constant 256 : i32
    %dma_start3A_20 = tpu.memref_slice %arg7[%dma_start3A_19] : memref<512xf32, #tpu.memory_space<vmem>> -> memref<128xf32, #tpu.memory_space<vmem>>
    %dma_start3A_21 = arith.constant 256 : i32
    %dma_start3A_22 = tpu.memref_slice %arg6[%dma_start3A_21] : memref<512xi32, #tpu.memory_space<vmem>> -> memref<128xi32, #tpu.memory_space<vmem>>
    %dma_start3A_23 = arith.constant 0 : i32
    %dma_start3A_24 = tpu.memref_slice %arg5[%dma_start3A_23] : memref<160000xf32, #tpu.memory_space<vmem_shared>> -> memref<160000xf32, #tpu.memory_space<vmem_shared>>
    tpu.enqueue_indirect_dma source(%dma_start3A_24 : memref<160000xf32, #tpu.memory_space<vmem_shared>>) target(%dma_start3A_20 : memref<128xf32, #tpu.memory_space<vmem>>) offsets(%dma_start3A_22 : memref<128xi32, #tpu.memory_space<vmem>>) semaphore(%arg9 : memref<!tpu.dma_semaphore, #tpu.memory_space<semaphore_mem>>)
    %dma_start3A_25 = arith.constant 384 : i32
    %dma_start3A_26 = tpu.memref_slice %arg7[%dma_start3A_25] : memref<512xf32, #tpu.memory_space<vmem>> -> memref<128xf32, #tpu.memory_space<vmem>>
    %dma_start3A_27 = arith.constant 384 : i32
    %dma_start3A_28 = tpu.memref_slice %arg6[%dma_start3A_27] : memref<512xi32, #tpu.memory_space<vmem>> -> memref<128xi32, #tpu.memory_space<vmem>>
    %dma_start3A_29 = arith.constant 0 : i32
    %dma_start3A_30 = tpu.memref_slice %arg5[%dma_start3A_29] : memref<160000xf32, #tpu.memory_space<vmem_shared>> -> memref<160000xf32, #tpu.memory_space<vmem_shared>>
    tpu.enqueue_indirect_dma source(%dma_start3A_30 : memref<160000xf32, #tpu.memory_space<vmem_shared>>) target(%dma_start3A_26 : memref<128xf32, #tpu.memory_space<vmem>>) offsets(%dma_start3A_28 : memref<128xi32, #tpu.memory_space<vmem>>) semaphore(%arg9 : memref<!tpu.dma_semaphore, #tpu.memory_space<semaphore_mem>>)
    %dma_wait3A_31 = arith.constant 0 : i32
    %dma_wait3A_32 = tpu.memref_slice %arg7[%dma_wait3A_31] : memref<512xf32, #tpu.memory_space<vmem>> -> memref<128xf32, #tpu.memory_space<vmem>>
    %dma_wait3A_33 = arith.constant 0 : i32
    %dma_wait3A_34 = tpu.memref_slice %arg6[%dma_wait3A_33] : memref<512xi32, #tpu.memory_space<vmem>> -> memref<128xi32, #tpu.memory_space<vmem>>
    %dma_wait3A_35 = arith.constant 0 : i32
    %dma_wait3A_36 = tpu.memref_slice %arg5[%dma_wait3A_35] : memref<160000xf32, #tpu.memory_space<vmem_shared>> -> memref<160000xf32, #tpu.memory_space<vmem_shared>>
    tpu.wait_indirect_dma semaphore(%arg9 : memref<!tpu.dma_semaphore, #tpu.memory_space<semaphore_mem>>) src(%dma_wait3A_36 : memref<160000xf32, #tpu.memory_space<vmem_shared>>) dst(%dma_wait3A_32 : memref<128xf32, #tpu.memory_space<vmem>>)
    %dma_wait3A_37 = arith.constant 128 : i32
    %dma_wait3A_38 = tpu.memref_slice %arg7[%dma_wait3A_37] : memref<512xf32, #tpu.memory_space<vmem>> -> memref<128xf32, #tpu.memory_space<vmem>>
    %dma_wait3A_39 = arith.constant 128 : i32
    %dma_wait3A_40 = tpu.memref_slice %arg6[%dma_wait3A_39] : memref<512xi32, #tpu.memory_space<vmem>> -> memref<128xi32, #tpu.memory_space<vmem>>
    %dma_wait3A_41 = arith.constant 0 : i32
    %dma_wait3A_42 = tpu.memref_slice %arg5[%dma_wait3A_41] : memref<160000xf32, #tpu.memory_space<vmem_shared>> -> memref<160000xf32, #tpu.memory_space<vmem_shared>>
    tpu.wait_indirect_dma semaphore(%arg9 : memref<!tpu.dma_semaphore, #tpu.memory_space<semaphore_mem>>) src(%dma_wait3A_42 : memref<160000xf32, #tpu.memory_space<vmem_shared>>) dst(%dma_wait3A_38 : memref<128xf32, #tpu.memory_space<vmem>>)
    %dma_wait3A_43 = arith.constant 256 : i32
    %dma_wait3A_44 = tpu.memref_slice %arg7[%dma_wait3A_43] : memref<512xf32, #tpu.memory_space<vmem>> -> memref<128xf32, #tpu.memory_space<vmem>>
    %dma_wait3A_45 = arith.constant 256 : i32
    %dma_wait3A_46 = tpu.memref_slice %arg6[%dma_wait3A_45] : memref<512xi32, #tpu.memory_space<vmem>> -> memref<128xi32, #tpu.memory_space<vmem>>
    %dma_wait3A_47 = arith.constant 0 : i32
    %dma_wait3A_48 = tpu.memref_slice %arg5[%dma_wait3A_47] : memref<160000xf32, #tpu.memory_space<vmem_shared>> -> memref<160000xf32, #tpu.memory_space<vmem_shared>>
    tpu.wait_indirect_dma semaphore(%arg9 : memref<!tpu.dma_semaphore, #tpu.memory_space<semaphore_mem>>) src(%dma_wait3A_48 : memref<160000xf32, #tpu.memory_space<vmem_shared>>) dst(%dma_wait3A_44 : memref<128xf32, #tpu.memory_space<vmem>>)
    %dma_wait3A_49 = arith.constant 384 : i32
    %dma_wait3A_50 = tpu.memref_slice %arg7[%dma_wait3A_49] : memref<512xf32, #tpu.memory_space<vmem>> -> memref<128xf32, #tpu.memory_space<vmem>>
    %dma_wait3A_51 = arith.constant 384 : i32
    %dma_wait3A_52 = tpu.memref_slice %arg6[%dma_wait3A_51] : memref<512xi32, #tpu.memory_space<vmem>> -> memref<128xi32, #tpu.memory_space<vmem>>
    %dma_wait3A_53 = arith.constant 0 : i32
    %dma_wait3A_54 = tpu.memref_slice %arg5[%dma_wait3A_53] : memref<160000xf32, #tpu.memory_space<vmem_shared>> -> memref<160000xf32, #tpu.memory_space<vmem_shared>>
    tpu.wait_indirect_dma semaphore(%arg9 : memref<!tpu.dma_semaphore, #tpu.memory_space<semaphore_mem>>) src(%dma_wait3A_54 : memref<160000xf32, #tpu.memory_space<vmem_shared>>) dst(%dma_wait3A_50 : memref<128xf32, #tpu.memory_space<vmem>>)
    "tpu.region"() ({
      %run_scoped3A = tpu.sem_alloc : memref<!tpu.dma_semaphore, #tpu.memory_space<semaphore_mem>>
      %dma_start3A_55 = tpu.memref_slice %arg4[%mul3A_2] : memref<16384xf32, #tpu.memory_space<hbm>> -> memref<512xf32, #tpu.memory_space<hbm>>
      %dma_start3A_56 = tpu.memref_slice %arg4[%mul3A_2] : memref<16384xf32, #tpu.memory_space<hbm>> -> memref<512xf32, #tpu.memory_space<hbm>>
      tpu.enqueue_dma source(%arg7 : memref<512xf32, #tpu.memory_space<vmem>>) target(%dma_start3A_56 : memref<512xf32, #tpu.memory_space<hbm>>) target_semaphore(%run_scoped3A : memref<!tpu.dma_semaphore, #tpu.memory_space<semaphore_mem>>)
      %dma_wait3A_57 = tpu.memref_slice %arg4[%mul3A_2] : memref<16384xf32, #tpu.memory_space<hbm>> -> memref<512xf32, #tpu.memory_space<hbm>>
      %dma_wait3A_58 = tpu.memref_slice %arg4[%mul3A_2] : memref<16384xf32, #tpu.memory_space<hbm>> -> memref<512xf32, #tpu.memory_space<hbm>>
      tpu.wait_dma2 semaphore(%run_scoped3A : memref<!tpu.dma_semaphore, #tpu.memory_space<semaphore_mem>>) src(%arg7 : memref<512xf32, #tpu.memory_space<vmem>>) dst(%dma_wait3A_58 : memref<512xf32, #tpu.memory_space<hbm>>)
      tpu.yield
    }) : () -> ()
    return
  }
}

module attributes {stable_mosaic.version = 14 : i64} {
  func.func @_tc_index_body(%arg0: i32, %arg1: memref<4096x80xf32, #tpu.memory_space<vmem>>, %arg2: memref<80x1xf32, #tpu.memory_space<vmem>>, %arg3: memref<4096xi32, #tpu.memory_space<vmem>>) attributes {dimension_semantics = [#tpu.dimension_semantics<arbitrary>], iteration_bounds = array<i64: 4>, scalar_prefetch = 0 : i64, scratch_operands = 0 : i64, tpu.core_type = #tpu.core_type<tc>, window_params = [{transform_indices = @transform_0, window_bounds = array<i64: 4096, 80>}, {pipeline_mode = #tpu.pipeline_mode<synchronous>, transform_indices = @transform_1, window_bounds = array<i64: 80, 1>}, {transform_indices = @transform_2, window_bounds = array<i64: 4096>}]} {
    %get3A = arith.constant 0 : index
    %get3A_0 = arith.constant 0 : index
    %get3A_1 = vector.load %arg1[%get3A, %get3A_0] : memref<4096x80xf32, #tpu.memory_space<vmem>>, vector<4096x80xf32>
    %get3A_2 = arith.constant 0 : index
    %get3A_3 = arith.constant 0 : index
    %get3A_4 = vector.load %arg2[%get3A_2, %get3A_3] : memref<80x1xf32, #tpu.memory_space<vmem>>, vector<80x1xf32>
    %dot_general3A = arith.constant dense<0.000000e+00> : vector<4096x1xf32>
    %dot_general3A_5 = tpu.matmul %get3A_1, %get3A_4, %dot_general3A {dimension_numbers = #tpu.dot_dimension_numbers<[1], [0], [0], [1], [0, 0, 1, 1], [], []>, precision = #tpu.contract_precision<fp32>, transpose_lhs_hint = false} : vector<4096x80xf32>, vector<80x1xf32>, vector<4096x1xf32> -> vector<4096x1xf32>
    %jit3A = arith.constant 0.000000e+00 : f32
    %jit3A_6 = arith.constant 1.599990e+05 : f32
    %max3A = vector.broadcast %jit3A : f32 to vector<4096x1xf32>
    %max3A_7 = arith.maximumf %max3A, %dot_general3A_5 : vector<4096x1xf32>
    %min3A = vector.broadcast %jit3A_6 : f32 to vector<4096x1xf32>
    %min3A_8 = arith.minimumf %min3A, %max3A_7 : vector<4096x1xf32>
    %convert_element_type3A = arith.fptosi %min3A_8 : vector<4096x1xf32> to vector<4096x1xi32>
    %reshape3A = vector.shape_cast %convert_element_type3A : vector<4096x1xi32> to vector<4096xi32>
    %swap3A = arith.constant 0 : index
    %swap3A_9 = vector.load %arg3[%swap3A] : memref<4096xi32, #tpu.memory_space<vmem>>, vector<4096xi32>
    tpu.vector_store %arg3[%swap3A], %reshape3A {strides = array<i32>} : memref<4096xi32, #tpu.memory_space<vmem>>, vector<4096xi32>,
    return
  }
  func.func @transform_0(%arg0: i32) -> (i32, i32) {
    %c0_i32 = arith.constant 0 : i32
    %c0_i32_0 = arith.constant 0 : i32
    return %arg0, %c0_i32 : i32, i32
  }
  func.func @transform_1(%arg0: i32) -> (i32, i32) {
    %c0_i32 = arith.constant 0 : i32
    %c0_i32_0 = arith.constant 0 : i32
    %c0_i32_1 = arith.constant 0 : i32
    return %c0_i32, %c0_i32_0 : i32, i32
  }
  func.func @transform_2(%arg0: i32) -> i32 {
    %c0_i32 = arith.constant 0 : i32
    return %arg0 : i32
  }
}

</mosaic_0001>

<sc_bundles>
// kernel: kernel.4.cloned.1.call-start
scs
__scs_entry_jumppad:
0x0: {  	(pc) =	sbr.rel $0x88, $3  }
0x1: {  	(tag) =	ssettag $0x0;
	lr =	simm.s32 $0x1  }
0x2: {  	[smem:$0x3F9E] =	sst lr;
	_ =	strace $0xD0000000  }
0x3: {  	_ = 	snop  }
0x4: {  	_ = 	snop  }
0x5: {  	_ = 	snop  }
0x6: {  	_ = 	snop  }
0x7: {  	_ = 	snop  }
__scs_overlays_trampoline_lowered:
0x8: {  	[smem:$0x3FAD] =	sst s0  }
0x9: {  	[smem:$0x3FAE] =	sst s1  }
0xa: {  	[smem:$0x3FAF] =	sst s2  }
0xb: {  	[smem:$0x3FB0] =	sst s3  }
0xc: {  	[smem:$0x3FB1] =	sst s4  }
0xd: {  	[smem:$0x3FB2] =	sst s5  }
0xe: {  	[smem:$0x3FB3] =	sst s6  }
0xf: {  	[smem:$0x3FB4] =	sst s7  }
0x10: {  	[smem:$0x3FB5] =	sst s8  }
0x11: {  	[smem:$0x3FB6] =	sst s9;
	s0 =	simm.s32 @!p0 $0x0  }
0x12: {  	s1 =	sld [smem:$0x3F9C];
	s0 =	simm.s32 @p0 $0x1  }
0x13: {  	[smem:$0x3FB7] =	sst s0;
	s0 =	simm.s32 @!p1 $0x0  }
0x14: {  	s2 =	sld [smem:$0x3F9B];
	s0 =	simm.s32 @p1 $0x1  }
0x15: {  	[smem:$0x3FB8] =	sst s0;
	s0 =	simm.s32 @!p2 $0x0  }
0x16: {  	s3 =	sld [smem:$0x3FDB];
	s0 =	simm.s32 @p2 $0x1  }
0x17: {  	s4 =	simm.s32 $0x1BF5;
	[smem:$0x3FBA] =	sst s0  }
0x18: {  	s0 =	sld [smem:$0x3F9D];
	_ =	swait.ge [sflag:s4], $0x0  }
0x19: {  	s7 =	sld [smem:$0x3F9E]  }
0x1a: {  	s8 =	sadd.s32 $0xFFFFE003, lr  }
0x1b: {  	s9 =	sadd.s32 $0xFFFFFEF7, lr;
	s5 =	simm.s32 $0xFFFFFFFF;
	p2 =	slt.u32 s8, $0xFFFFF086  }
0x1c: {  	p1 =	slt.u32 s9, $0xF7A;
	s5 =	simm.s32 @!p2 $0x0  }
0x1d: {  	s5 =	simm.s32 @p1 $0x1;
	p0 =	seq.s32 s7, s2  }
0x1e: {  	s7 =	smul.u32 @!p0 $0xF7A, s2;
	p2 =	seq.s32 @!p0 s5, $0x0  }
0x1f: {  	s9 =	smul.u32 $0xF7A, s1;
	s8 =	simm.s32 @!p0 $0x1BF5;
	p2 =	por !p2, p0  }
0x20: {  	[sflag:s8] =	ssyncset.s32 @!p0 $0xFFFFF086;
	s6 =	sadd.s32 @!p0 s3, s7;
	s7 =	simm.s32 @!p0 $0x108  }
0x21: {  	s3 =	sadd.s32 s3, s9;
	s6 =	sadd.s32 @!p0 $0x88, s6;
	s7 =	simm.s32 @p2 $0x1082  }
0x22: {  	[simem:s7], [sflag:s8] =	dma.local @!p0 [hbm:s6], $0xF7A  }
0x23: {  	s9 =	sor.u32 $0xD0000000, s2;
	s6 =	simm.s32 $0x108;
	_ =	swait.ge @!p0 [sflag:s8], $0x0  }
0x24: {  	s3 =	sadd.s32 $0x88, s3;
	s6 =	simm.s32 @!p1 $0x1082;
	[sflag:s4] =	ssyncset.s32 $0xFFFFF086  }
0x25: {  	[simem:s6], [sflag:s4] =	dma.local [hbm:s3], $0xF7A  }
0x26: {  	[smem:$0x3F9E] =	sst s1;
	(tag) =	ssettag s2;
	_ =	strace s9  }
0x27: {  	s1 =	sld [smem:$0x3FAE]  }
0x28: {  	s2 =	sld [smem:$0x3FAF]  }
0x29: {  	s4 =	sld [smem:$0x3FB1]  }
0x2a: {  	p0 =	seq.s32 s5, $0x0;
	s5 =	sld [smem:$0x3FB2]  }
0x2b: {  	s6 =	sld [smem:$0x3FB3]  }
0x2c: {  	s7 =	sld [smem:$0x3FB4]  }
0x2d: {  	s3 =	simm.s32 $0x108;
	s8 =	sld [smem:$0x3FB5]  }
0x2e: {  	s3 =	simm.s32 @!p0 $0x1082;
	s9 =	sld [smem:$0x3FB6]  }
0x2f: {  	lr =	sadd.s32 s0, s3;
	s0 =	sld [smem:$0x3FAD]  }
0x30: {  	s3 =	sld [smem:$0x3FB0]  }
0x31: {  	[smem:$0x3FB9] =	sst s10  }
0x32: {  	s10 =	sld [smem:$0x3FB7];
	_ =	sdelay $0x3  }
0x33: {  	p0 =	seq.s32 s10, $0x1;
	s10 =	sld [smem:$0x3FB9];
	_ =	sdelay $0x3  }
0x34: {  	[smem:$0x3FB9] =	sst s10  }
0x35: {  	s10 =	sld [smem:$0x3FB8];
	_ =	sdelay $0x3  }
0x36: {  	p1 =	seq.s32 s10, $0x1;
	s10 =	sld [smem:$0x3FB9];
	_ =	sdelay $0x3  }
0x37: {  	[smem:$0x3FB9] =	sst s10  }
0x38: {  	s10 =	sld [smem:$0x3FBA]  }
0x39: {  	_ = 	snop;
	(pc) =	sbr.ind lr, $3  }
0x3a: {  	_ = 	snop  }
0x3b: {  	_ = 	snop  }
0x3c: {  	p2 =	seq.s32 s10, $0x1;
	s10 =	sld [smem:$0x3FB9]  }
0x3d: {  	_ =	shalt  }
0x3e: {  	_ =	shalt  }
0x3f: {  	_ =	shalt  }
0x40: {  	_ =	shalt  }
0x41: {  	_ =	shalt  }
0x42: {  	_ =	shalt  }
0x43: {  	_ =	shalt  }
0x44: {  	_ =	shalt  }
0x45: {  	_ =	shalt  }
0x46: {  	_ =	shalt  }
0x47: {  	_ =	shalt  }
0x48: {  	_ =	shalt  }
0x49: {  	_ =	shalt  }
0x4a: {  	_ =	shalt  }
0x4b: {  	_ =	shalt  }
0x4c: {  	_ =	shalt  }
0x4d: {  	_ =	shalt  }
0x4e: {  	_ =	shalt  }
0x4f: {  	_ =	shalt  }
0x50: {  	_ =	shalt  }
0x51: {  	_ =	shalt  }
0x52: {  	_ =	shalt  }
0x53: {  	_ =	shalt  }
0x54: {  	_ =	shalt  }
0x55: {  	_ =	shalt  }
0x56: {  	_ =	shalt  }
0x57: {  	_ =	shalt  }
0x58: {  	_ =	shalt  }
0x59: {  	_ =	shalt  }
0x5a: {  	_ =	shalt  }
0x5b: {  	_ =	shalt  }
0x5c: {  	_ =	shalt  }
0x5d: {  	_ =	shalt  }
0x5e: {  	_ =	shalt  }
0x5f: {  	_ =	shalt  }
0x60: {  	_ =	shalt  }
0x61: {  	_ =	shalt  }
0x62: {  	_ =	shalt  }
0x63: {  	_ =	shalt  }
0x64: {  	_ =	shalt  }
0x65: {  	_ =	shalt  }
0x66: {  	_ =	shalt  }
0x67: {  	_ =	shalt  }
0x68: {  	_ =	shalt  }
0x69: {  	_ =	shalt  }
0x6a: {  	_ =	shalt  }
0x6b: {  	_ =	shalt  }
0x6c: {  	_ =	shalt  }
0x6d: {  	_ =	shalt  }
0x6e: {  	_ =	shalt  }
0x6f: {  	_ =	shalt  }
0x70: {  	_ =	shalt  }
0x71: {  	_ =	shalt  }
0x72: {  	_ =	shalt  }
0x73: {  	_ =	shalt  }
0x74: {  	_ =	shalt  }
0x75: {  	_ =	shalt  }
0x76: {  	_ =	shalt  }
0x77: {  	_ =	shalt  }
0x78: {  	_ =	shalt  }
0x79: {  	_ =	shalt  }
0x7a: {  	_ =	shalt  }
0x7b: {  	_ =	shalt  }
0x7c: {  	_ =	shalt  }
0x7d: {  	_ =	shalt  }
0x7e: {  	_ =	shalt  }
0x7f: {  	_ =	shalt  }
0x80: {  	_ =	shalt  }
0x81: {  	_ =	shalt  }
0x82: {  	_ =	shalt  }
0x83: {  	_ =	shalt  }
0x84: {  	_ =	shalt  }
0x85: {  	_ =	shalt  }
0x86: {  	_ =	shalt  }
0x87: {  	_ =	shalt  }
.Lfunc_end0:
.L_simem_size_0:
called_computation_lowered:
.L_overlay_start_0:
0x88: {  	s2 =	sld [smem:$0x3FD9]  }
0x89: {  	s3 =	sld [smem:$0x3FFE];
	_ =	sdelay $0x1  }
0x8a: {  	s1 =	srdreg.scid  }
0x8b: {  	s0 =	sand.u32 $0x1, s1  }
0x8c: {  	s17 =	sshll.u32 s0, $0xA;
	s2 =	sadd.s32 s3, s2  }
0x8d: {  	s2 =	sadd.s32 s2, s17  }
0x8e: {  	[smem:$0x3FC5] =	sst s2  }
0x8f: {  	_ = 	snop  }
0x90: {  	s2 =	sld [smem:$0x3FD0];
	(tm) =	ssettm $0x1  }
0x91: {  	s18 =	sld [smem:$0x3FFB];
	_ =	sdelay $0x3  }
0x92: {  	_ =	strace s18  }
0x93: {  	s3 =	sld [smem:$0x3FFC];
	_ =	sdelay $0x3  }
0x94: {  	_ =	strace s3  }
0x95: {  	s3 =	sld [smem:$0x3FFD];
	_ =	sdelay $0x3  }
0x96: {  	_ =	strace s3  }
0x97: {  	_ =	strace $0x8FFFFFFF  }
0x98: {  	s19 =	sld [smem:$0x3FDB];
	_ =	sdelay $0x1  }
0x99: {  	s4 =	simm.s32 $_scs_section_size  }
0x9a: {  	s5 =	simm.s32 $_size__tile_overlayer_lowered;
	s6 =	simm.s32 $_tile_overlayer_lowered  }
0x9b: {  	s22 =	simm.s32 $0x1BFF;
	s21 =	sshll.u32 s6, $0x1;
	s3 =	sadd.s32 s4, s19  }
0x9c: {  	s7 =	simm.s32 $0x0;
	s20 =	sshll.u32 s5, $0x1;
	s5 =	sadd.s32 s21, s3  }
0x9d: {  	[timem:s7], [sflag:s22] =	dma.local [hbm:s5], s20  }
0x9e: {  	_ =	swait.ge [sflag:s22], s20  }
0x9f: {  	s4 =	ssub.s32 $0x0, s20;
	[sflag:s22] =	ssyncset.done $0x0  }
0xa0: {  	[sflag:s22] =	ssyncadd.s32 s4;
	_ =	sdelay $0x1  }
0xa1: {  	s23 =	simm.s32 $0x1B8B  }
0xa2: {  	_ =	swait.ge [sflag:s23], $0x1  }
0xa3: {  	[sflag:s23] =	ssyncset.done $0x0  }
0xa4: {  	s25 =	simm.s32 $0x1B8E;
	s24 =	sld [smem:$0x3FFE];
	[sflag:s23] =	ssyncadd.s32 $0xFFFFFFFF  }
0xa5: {  	s26 =	simm.s32 $execute0_lowered;
	[smem:$0x3FD2] =	sst s25  }
0xa6: {  	s5 =	sshll.u32 s26, $0x1;
	_ =	strace $0x80000046;
	[dreg:$0x1] =	wrdreg $0xFFFFFFFF  }
0xa7: {  	s28 =	simm.s32 $_size_execute0_lowered;
	s3 =	sadd.s32 s3, s5;
	[dreg:$0x0] =	wrdreg $0x0  }
0xa8: {  	s5 =	sshll.u32 s28, $0x1;
	[dreg:$0x2] =	wrdreg s3  }
0xa9: {  	[dreg:$0x3] =	wrdreg s5  }
0xaa: {  	[dreg:$0x4] =	wrdreg $0xC0  }
0xab: {  	_ =	task [dreg:s7], $0x5FFFF  }
0xac: {  	[dreg:$0x1] =	wrdreg $0xFFFFFFFF  }
0xad: {  	[dreg:$0x0] =	wrdreg $0x60  }
0xae: {  	[dreg:$0x2] =	wrdreg s24  }
0xaf: {  	[dreg:$0x3] =	wrdreg s2  }
0xb0: {  	[dreg:$0x4] =	wrdreg $0x0  }
0xb1: {  	[dreg:$0x5] =	wrdreg $0x9  }
0xb2: {  	_ =	task.clear_ibuf [dreg:s7], $0x6FFFF;
	_ =	strace $0x90000046  }
0xb3: {  	s29 =	simm.s32 $0x9;
	_ =	strace $0x80000048  }
0xb4: {  	_ =	swait.ge [sflag:s29], $0x1  }
0xb5: {  	[sflag:s29] =	ssyncadd.s32 $0xFFFFFFFF  }
0xb6: {  	_ =	strace $0x90000048  }
0xb7: {  	_ =	sfence  }
0xb8: {  	s30 =	sld [smem:$0x0];
	_ =	sdelay $0x2  }
0xb9: {  	s31 =	sshll.u32 s1, $0xD;
	s1 =	sshrl.u32 s1, $0x2  }
0xba: {  	s3 =	sand.u32 $0x4000, s31;
	s1 =	sadd.s32 s1, s30  }
0xbb: {  	s0 =	sor.u32 s3, s0;
	s1 =	sshll.u32 s1, $0x11  }
0xbc: {  	s0 =	sor.u32 s1, s0  }
0xbd: {  	s0 =	sadd.s32 $0x8F2B, s0  }
0xbe: {  	[sflag:s0] =	ssyncadd.remote.s32 $0x1  }
0xbf: {  	_ =	sfence.sel $0xFFFF  }
0xc0: {  	[dreg:$0x0] =	wrdreg $0xFFFFFFFF;
	(pc) =	sbr.abs _section_cstart, $3  }
0xc1: {  	[dreg:$0x1] =	wrdreg $0xFFFFFFFF  }
0xc2: {  	_ =	task.clear_ibuf [dreg:s7], $0x2FFFF;
	_ =	strace $0x9FFFFFFF  }
0xc3: {  	(tm) =	ssettm $0x7FFFFFFF  }
tec
execute0_lowered:
.L_overlay_start_1:
0x0: {  	(tag) =	ssettag $0x1  }
0x1: {  	s3 =	rddreg [dreg:$0x0]  }
0x2: {  	s19 =	rddreg [dreg:$0x1]  }
0x3: {  	s1 =	rddreg [dreg:$0x2];
	s2 =	srdreg.scid  }
0x4: {  	s0 =	rddreg [dreg:$0x3];
	s5 =	stileid.u32  }
0x5: {  	s20 =	sand.u32 $0x1, s2;
	s2 =	simm.s32 $0x0;
	s4 =	sshll.u32 s5, $0x7  }
0x6: {  	p0 =	sne.s32 s5, $0x0;
	s5 =	simm.s32 $0x2710;
	s6 =	sshll.u32 s20, $0x6  }
0x7: {  	[smem:$0x7FF] =	sst s2;
	s7 =	simm.s32 @!p0 $0x1C03;
	s21 =	sor.u32 s6, s4  }
0x8: {  	s8 =	simm.s32 @!p0 $0x3;
	_ =	strace $0x80000047;
	s4 =	sadd.s32 s21, s3  }
0x9: {  	s6 =	sshrl.u32 @!p0 s1, $0x3;
	s3 =	sadd.s32 $0xE00, s3;
	s4 =	sadd.s32 $0x600, s4  }
0xa: {  	[tilespmem:s5], [sflag:$0x1] =	stream.linear.gather [hbm4b:s4+s2], $0x200, $0x38;
	[tilespmem:$0x2B10] =	vst v63  }
0xb: {  	[spmem:s6], [sflag:s7] =	dma.local @!p0 [hbm:s3], $0x4E20  }
0xc: {  	_ =	swait.ge @!p0 [sflag:s8], $0x4E20  }
0xd: {  	[sflag:s8] =	ssyncset.done @!p0 $0x0  }
0xe: {  	[sflag:s8] =	ssyncadd.s32 @!p0 $0xFFFFB1E0  }
0xf: {  	s9 =	simm.s32 $0x1;
	[bflag:$0x0] =	sbarrier.arrive $0xFFFF  }
0x10: {  	_ =	swait.ge [sflag:s9], $0x200  }
0x11: {  	[sflag:s9] =	ssyncset.done $0x0  }
0x12: {  	s10 =	simm.s32 $0x80;
	s11 =	simm.s32 $0x2910;
	[sflag:s9] =	ssyncadd.s32 $0xFFFFFE00  }
0x13: {  	[tilespmem:s11], [sflag:$0x2] =	stream.indirect.gather [spmem:s1], $0x1, s5, s10, $0xb8;
	[tilespmem:$0x2B10] =	vst v63  }
0x14: {  	s12 =	simm.s32 $0x2790;
	s13 =	simm.s32 $0x2990  }
0x15: {  	[tilespmem:s13], [sflag:$0x2] =	stream.indirect.gather [spmem:s1], $0x1, s12, s10, $0xb8;
	[tilespmem:$0x2B10] =	vst v63  }
0x16: {  	s14 =	simm.s32 $0x2810;
	s15 =	simm.s32 $0x2A10  }
0x17: {  	[tilespmem:s15], [sflag:$0x2] =	stream.indirect.gather [spmem:s1], $0x1, s14, s10, $0xb8;
	[tilespmem:$0x2B10] =	vst v63  }
0x18: {  	s16 =	simm.s32 $0x2890;
	s17 =	simm.s32 $0x2A90;
	s18 =	simm.s32 $0x2  }
0x19: {  	[tilespmem:s17], [sflag:$0x2] =	stream.indirect.gather [spmem:s1], $0x1, s16, s10, $0xb8;
	[tilespmem:$0x2B10] =	vst v63  }
0x1a: {  	_ =	swait.ge [sflag:s18], $0x80  }
0x1b: {  	[sflag:s18] =	ssyncset.done $0x0  }
0x1c: {  	[sflag:s18] =	ssyncadd.s32 $0xFFFFFF80  }
0x1d: {  	_ =	swait.ge [sflag:s18], $0x80  }
0x1e: {  	s20 =	ssub.s32 $0x2, s20;
	[sflag:s18] =	ssyncset.done $0x0  }
0x1f: {  	s22 =	sshrl.u32 s20, $0x1;
	[sflag:s18] =	ssyncadd.s32 $0xFFFFFF80  }
0x20: {  	s20 =	ssub.s32 s20, s22;
	_ =	swait.ge [sflag:s18], $0x80  }
0x21: {  	s31 =	smax.u32 s20, $0x1;
	[sflag:s18] =	ssyncset.done $0x0  }
0x22: {  	s19 =	sadd.s32 s19, s21;
	s21 =	sadd.s32 $0xFFFFFFFF, s31;
	[sflag:s18] =	ssyncadd.s32 $0xFFFFFF80  }
0x23: {  	p1 =	sne.s32 s21, $0x0;
	_ =	swait.ge [sflag:s18], $0x80  }
.Ltmp0:
0x24: {  	[sflag:s18] =	ssyncset.done $0x0;
	(pc) =	sbr.rel @!p1 .LBB2_2-.Ltmp0, $4  }
0x25: {  	s20 =	simm.s32 $0x3;
	[sflag:s18] =	ssyncadd.s32 $0xFFFFFF80  }
0x26: {  	[hbm4b:s19+s2] =	stream.linear.scatter [tilespmem:s11], [sflag:$0x3], $0x200, $0x38;
	[tilespmem:$0x2B10] =	vst v63  }
0x27: {  	_ =	swait.ge [sflag:s20], $0x200  }
0x28: {  	[sflag:s20] =	ssyncset.done $0x0  }
.LBB2_1:
0x29: {  	[sflag:s20] =	ssyncadd.s32 $0xFFFFFE00  }
0x2a: {  	[tilespmem:s5], [sflag:$0x1] =	stream.linear.gather [hbm4b:s4+s2], $0x200, $0x38;
	[tilespmem:$0x2B10] =	vst v63  }
0x2b: {  	[spmem:s6], [sflag:s7] =	dma.local @!p0 [hbm:s3], $0x4E20  }
0x2c: {  	s21 =	sadd.s32 $0xFFFFFFFF, s21;
	_ =	swait.ge @!p0 [sflag:s8], $0x4E20  }
0x2d: {  	p1 =	sne.s32 s21, $0x0;
	[sflag:s8] =	ssyncset.done @!p0 $0x0  }
0x2e: {  	[sflag:s8] =	ssyncadd.s32 @!p0 $0xFFFFB1E0  }
0x2f: {  	[bflag:$0x0] =	sbarrier.arrive $0xFFFF  }
0x30: {  	_ =	swait.ge [sflag:s9], $0x200  }
0x31: {  	[sflag:s9] =	ssyncset.done $0x0  }
0x32: {  	[sflag:s9] =	ssyncadd.s32 $0xFFFFFE00  }
0x33: {  	[tilespmem:s11], [sflag:$0x2] =	stream.indirect.gather [spmem:s1], $0x1, s5, s10, $0xb8;
	[tilespmem:$0x2B10] =	vst v63  }
0x34: {  	_ = 	snop  }
0x35: {  	[tilespmem:s13], [sflag:$0x2] =	stream.indirect.gather [spmem:s1], $0x1, s12, s10, $0xb8;
	[tilespmem:$0x2B10] =	vst v63  }
0x36: {  	_ = 	snop  }
0x37: {  	[tilespmem:s15], [sflag:$0x2] =	stream.indirect.gather [spmem:s1], $0x1, s14, s10, $0xb8;
	[tilespmem:$0x2B10] =	vst v63  }
0x38: {  	_ = 	snop  }
0x39: {  	[tilespmem:s17], [sflag:$0x2] =	stream.indirect.gather [spmem:s1], $0x1, s16, s10, $0xb8;
	[tilespmem:$0x2B10] =	vst v63  }
0x3a: {  	_ =	swait.ge [sflag:s18], $0x80  }
0x3b: {  	[sflag:s18] =	ssyncset.done $0x0  }
0x3c: {  	[sflag:s18] =	ssyncadd.s32 $0xFFFFFF80  }
0x3d: {  	_ =	swait.ge [sflag:s18], $0x80  }
0x3e: {  	[sflag:s18] =	ssyncset.done $0x0  }
0x3f: {  	[sflag:s18] =	ssyncadd.s32 $0xFFFFFF80  }
0x40: {  	_ =	swait.ge [sflag:s18], $0x80  }
0x41: {  	[sflag:s18] =	ssyncset.done $0x0  }
0x42: {  	[sflag:s18] =	ssyncadd.s32 $0xFFFFFF80  }
0x43: {  	_ =	swait.ge [sflag:s18], $0x80  }
.Ltmp1:
0x44: {  	[sflag:s18] =	ssyncset.done $0x0;
	(pc) =	sbr.rel @p1 .LBB2_1-.Ltmp1, $4  }
0x45: {  	[sflag:s18] =	ssyncadd.s32 $0xFFFFFF80  }
0x46: {  	[hbm4b:s19+s2] =	stream.linear.scatter [tilespmem:s11], [sflag:$0x3], $0x200, $0x38;
	[tilespmem:$0x2B10] =	vst v63  }
0x47: {  	_ =	swait.ge [sflag:s20], $0x200  }
0x48: {  	[sflag:s20] =	ssyncset.done $0x0  }
.LBB2_2:
0x49: {  	[sflag:s20] =	ssyncadd.s32 $0xFFFFFE00  }
0x4a: {  	_ =	sfence.sel $0x180000  }
0x4b: {  	[bflag:$0x0] =	sbarrier.arrive $0xFFFF  }
0x4c: {  	_ =	strace $0x90000047  }
0x4d: {  	s0 =	sadd.s32 @!p0 $0x100000, s0;
	[bflag:$0x2] =	sbarrier.arrive $0xFFFF  }
0x4e: {  	[sflag:s0] =	ssyncadd.tile.s32 @!p0 $0x1;
	_ =	shalt  }
.Lfunc_end2:
_tile_overlayer_lowered:
.L_overlay_start_2:
0x4f: {  	(tag) =	ssettag $0x2  }
0x50: {  	s0 =	rddreg [dreg:$0x0];
	s2 =	stileid.u32  }
0x51: {  	s1 =	rddreg [dreg:$0x1];
	p0 =	sne.s32 s2, $0x0  }
0x52: {  	s3 =	rddreg [dreg:$0x2];
	[bflag:$0x3] =	sbarrier.arrive $0xFFFF;
	s2 =	simm.s32 @!p0 $0x1C03  }
0x53: {  	[timem:s3], [sflag:s2] =	dma.local @!p0 [hbm:s0], s1  }
0x54: {  	s0 =	simm.s32 @!p0 $0x3  }
0x55: {  	_ =	swait.ge @!p0 [sflag:s0], s1  }
0x56: {  	s1 =	ssub.s32 @!p0 $0x0, s1;
	[sflag:s0] =	ssyncset.done @!p0 $0x0  }
0x57: {  	[sflag:s0] =	ssyncadd.s32 @!p0 s1  }
0x58: {  	[bflag:$0x3] =	sbarrier.arrive $0xFFFF  }
0x59: {  	_ =	shalt  }

</sc_bundles>
